<compile_context>
chip_gen: v7x
topology: tpu7x:2x2x1
jax: 0.10.2.dev20260603
libtpu: 0.0.44.dev20260713+nightly
codegen_flags: <defaults>
</compile_context>

<pallas_src>
import functools

import jax
import jax.numpy as jnp
from jax import lax
from jax.experimental import pallas as pl
from jax.experimental.pallas import tpu as pltpu
from jax.experimental.pallas import tpu_sc as plsc

N_E = 8192
CODE_DIM = 32
TQ = 256


def _proj_body(emb_ref, pw_ref, pbr_ref, pbc_ref, e_ref, etm2_ref, r2_ref):
    emb = emb_ref[...]
    pw = pw_ref[...]
    e = lax.dot_general(emb, pw, (((1,), (1,)), ((), ())),
                        preferred_element_type=jnp.float32) + pbr_ref[...]
    e_ref[...] = e
    et = lax.dot_general(pw, emb, (((1,), (1,)), ((), ())),
                         preferred_element_type=jnp.float32) + pbc_ref[...]
    etm2_ref[...] = -2.0 * et
    r2_ref[...] = jnp.sum(et * et, axis=0, keepdims=True)


def _project(embedding, proj_w, proj_b):
    pbr = proj_b.reshape(1, CODE_DIM)
    pbc = proj_b.reshape(CODE_DIM, 1)
    return pl.pallas_call(
        _proj_body,
        out_shape=(
            jax.ShapeDtypeStruct((N_E, CODE_DIM), jnp.float32),
            jax.ShapeDtypeStruct((CODE_DIM, N_E), jnp.float32),
            jax.ShapeDtypeStruct((1, N_E), jnp.float32),
        ),
    )(embedding, proj_w, pbr, pbc)


def _dist_body(x_ref, etm2_ref, r2_ref, cols_ref, idx_ref, logs_ref):
    q = x_ref[...]
    qe2 = lax.dot_general(q, etm2_ref[...], (((1,), (0,)), ((), ())),
                          preferred_element_type=jnp.float32)
    q2 = jnp.sum(q * q, axis=1, keepdims=True)
    sq = (q2 + r2_ref[...]) + qe2
    m = jnp.min(sq, axis=1, keepdims=True)

    c2 = 2.0813689810056077
    vc = jnp.maximum(sq * c2, 1e-37)
    dd = vc * lax.rsqrt(vc)
    s_raw = jnp.sum(jnp.exp2(-dd), axis=1, keepdims=True)

    dmin = jnp.sqrt(jnp.maximum(m, 0.0))
    logs_ref[...] = jnp.log(s_raw) + dmin

    thrw = jnp.maximum(m, 0.0) * (1.0 + 1e-6)
    mask = (sq <= thrw).astype(jnp.bfloat16)
    agg = lax.dot_general(mask, cols_ref[...], (((1,), (0,)), ((), ())),
                          preferred_element_type=jnp.float32)
    cnt = agg[:, 0:1]
    idx_f = 64.0 * agg[:, 1:2] + agg[:, 2:3]
    multi = jnp.max(cnt) > 1.5

    @pl.when(jnp.logical_not(multi))
    def _fast():
        idx_ref[...] = idx_f.astype(jnp.int32)

    @pl.when(multi)
    def _exact():
        d = jnp.sqrt(jnp.maximum(sq, 0.0))
        iota = lax.broadcasted_iota(jnp.int32, (TQ, N_E), 1)
        idx_ref[...] = jnp.min(jnp.where(d == dmin, iota, N_E), axis=1,
                               keepdims=True)


def _distances(xf, et, r2):
    n = xf.shape[0]
    grid = (n // TQ,)
    j = jnp.arange(N_E, dtype=jnp.int32)
    cols = jnp.stack(
        [jnp.ones((N_E,), jnp.float32),
         (j // 64).astype(jnp.float32),
         (j % 64).astype(jnp.float32)], axis=1).astype(jnp.bfloat16)
    return pl.pallas_call(
        _dist_body,
        grid=grid,
        in_specs=[
            pl.BlockSpec((TQ, CODE_DIM), lambda i: (i, 0)),
            pl.BlockSpec((CODE_DIM, N_E), lambda i: (0, 0)),
            pl.BlockSpec((1, N_E), lambda i: (0, 0)),
            pl.BlockSpec((N_E, 3), lambda i: (0, 0)),
        ],
        out_specs=(
            pl.BlockSpec((TQ, 1), lambda i: (i, 0)),
            pl.BlockSpec((TQ, 1), lambda i: (i, 0)),
        ),
        out_shape=(
            jax.ShapeDtypeStruct((n, 1), jnp.int32),
            jax.ShapeDtypeStruct((n, 1), jnp.float32),
        ),
    )(xf, et, r2, cols)


def _sc_gather(table, idx):
    info = plsc.get_sparse_core_info()
    nc, ns = info.num_cores, info.num_subcores
    nw = nc * ns
    b = idx.shape[0]
    bpw = b // nw
    chunk = 128
    mesh = plsc.VectorSubcoreMesh(core_axis_name="c", subcore_axis_name="s")

    @functools.partial(
        pl.kernel,
        mesh=mesh,
        compiler_params=pltpu.CompilerParams(use_tc_tiling_on_sc=False),
        out_type=jax.ShapeDtypeStruct((b, CODE_DIM), jnp.float32),
        scratch_types=[
            pltpu.VMEM((bpw,), jnp.int32),
            pltpu.VMEM((bpw, CODE_DIM), jnp.float32),
            pltpu.SemaphoreType.DMA,
        ],
    )
    def k(table_hbm, idx_hbm, out_hbm, idx_v, rows_v, sem):
        wid = lax.axis_index("s") * nc + lax.axis_index("c")
        base = wid * bpw
        pltpu.sync_copy(idx_hbm.at[pl.ds(base, bpw)], idx_v)
        for j in range(bpw // chunk):
            pltpu.async_copy(
                table_hbm.at[idx_v.at[pl.ds(j * chunk, chunk)]],
                rows_v.at[pl.ds(j * chunk, chunk)],
                sem,
            ).wait()
        pltpu.sync_copy(rows_v, out_hbm.at[pl.ds(base, bpw)])

    return k(table, idx)


def kernel(x, embedding, proj_w, proj_b):
    bb, tt, cc = x.shape
    xf = x.astype(jnp.float32).reshape(-1, cc)
    e, et, r2 = _project(embedding, proj_w, proj_b)
    idx2, logs2 = _distances(xf, et, r2)
    x_q = _sc_gather(e, idx2.reshape(-1))
    loss = jnp.mean(logs2)
    return x_q.reshape(bb, tt, cc), loss, idx2.reshape(bb, tt, 1)

# --- scband reference (transcript-rebuilt; emitter-appended) ---
"""Pipeline reference for scband-vector-quantizer-249108103302 (READ-ONLY COPY).

The authoritative reference and input builder live on the scoring server;
editing this copy changes nothing except your own understanding.
"""

import jax, jax.numpy as jnp
import numpy as np

N_E = 8192
CODE_DIM = 32
B, T, C = 16, 1024, 32


def setup_inputs(seed: int = 0) -> dict:
    key = jax.random.key(seed)
    k1, k2, k3, k4 = jax.random.split(key, 4)
    x = jax.random.normal(k1, (B, T, C), dtype=jnp.float32)
    # nn.Embedding default init: N(0, 1)
    embedding = jax.random.normal(k2, (N_E, CODE_DIM), dtype=jnp.float32)
    # proj weight init: normal std = code_dim ** -0.5
    proj_w = jax.random.normal(k3, (CODE_DIM, CODE_DIM), dtype=jnp.float32) * (CODE_DIM ** -0.5)
    bound = 1.0 / np.sqrt(CODE_DIM)
    proj_b = jax.random.uniform(k4, (CODE_DIM,), dtype=jnp.float32, minval=-bound, maxval=bound)
    return {"x": x, "embedding": embedding, "proj_w": proj_w, "proj_b": proj_b}


def _cdist(q, r):
    # torch.cdist p=2: euclidean distance
    sq = (jnp.sum(q * q, axis=1, keepdims=True)
          + jnp.sum(r * r, axis=1)[None, :]
          - 2.0 * q @ r.T)
    return jnp.sqrt(jnp.maximum(sq, 0.0))


def reference(x, embedding, proj_w, proj_b):
    # x: (B, T, C) -> flatten tokens
    Bb, Tt, Cc = x.shape
    xf = x.astype(jnp.float32).reshape(-1, Cc)
    # use_proj=True: project the codebook
    embed = embedding @ proj_w.T + proj_b
    query2ref = _cdist(xf, embed)                # (B*T, n_e)
    indices = jnp.argmin(query2ref, axis=-1)     # (B*T,)
    x_q = jnp.take(embed, indices, axis=0)       # nearest codes
    # loss_q_type == 'ce': cross_entropy(-query2ref, indices)
    logits = -query2ref
    lse = jax.nn.logsumexp(logits, axis=-1)
    picked = jnp.take_along_axis(logits, indices[:, None], axis=-1)[:, 0]
    loss = jnp.mean(lse - picked)
    # straight-through quantized output
    x_q_st = xf + jax.lax.stop_gradient(x_q - xf)
    x_q_out = x_q_st.reshape(Bb, Tt, Cc)
    indices_out = indices.reshape(Bb, Tt, 1)
    return x_q_out, loss, indices_out

if __name__ == "__main__":
    import jax
    _d = setup_inputs()
    print(jax.jit(kernel)(*tuple(_d.values())))

</pallas_src>

<mosaic_0001>
#map = affine_map<(d0, d1) -> (0, 0)>
#map1 = affine_map<(d0, d1) -> (0)>
module attributes {stable_mosaic.version = 14 : i64} {
  func.func @k(%arg0: i32, %arg1: i32, %arg2: memref<8192x32xf32, #tpu.memory_space<hbm>>, %arg3: memref<16384xi32, #tpu.memory_space<hbm>>, %arg4: memref<16384x32xf32, #tpu.memory_space<hbm>>, %arg5: memref<512xi32, #tpu.memory_space<vmem>>, %arg6: memref<512x32xf32, #tpu.memory_space<vmem>>, %arg7: memref<!tpu.dma_semaphore, #tpu.memory_space<semaphore_mem>>) attributes {dimension_semantics = [#tpu.dimension_semantics<core_parallel>, #tpu.dimension_semantics<subcore_parallel>], iteration_bounds = array<i64: 2, 16>, scalar_prefetch = 0 : i64, scratch_operands = 3 : i64, tpu.core_type = #tpu.core_type<sc_vector_subcore>, window_params = [{transform_indices = #map}, {transform_indices = #map1}, {transform_indices = #map}]} {
    %mul3A = arith.constant 2 : i32
    %mul3A_0 = arith.muli %arg1, %mul3A : i32
    %add3A = arith.addi %mul3A_0, %arg0 : i32
    %mul3A_1 = arith.constant 512 : i32
    %mul3A_2 = arith.muli %add3A, %mul3A_1 : i32
    "tpu.region"() ({
      %run_scoped3A = tpu.sem_alloc : memref<!tpu.dma_semaphore, #tpu.memory_space<semaphore_mem>>
      %dma_start3A_65 = tpu.memref_slice %arg3[%mul3A_2] : memref<16384xi32, #tpu.memory_space<hbm>> -> memref<512xi32, #tpu.memory_space<hbm>>
      %dma_start3A_66 = tpu.memref_slice %arg3[%mul3A_2] : memref<16384xi32, #tpu.memory_space<hbm>> -> memref<512xi32, #tpu.memory_space<hbm>>
      tpu.enqueue_dma source(%dma_start3A_66 : memref<512xi32, #tpu.memory_space<hbm>>) target(%arg5 : memref<512xi32, #tpu.memory_space<vmem>>) target_semaphore(%run_scoped3A : memref<!tpu.dma_semaphore, #tpu.memory_space<semaphore_mem>>)
      %dma_wait3A_67 = tpu.memref_slice %arg3[%mul3A_2] : memref<16384xi32, #tpu.memory_space<hbm>> -> memref<512xi32, #tpu.memory_space<hbm>>
      %dma_wait3A_68 = tpu.memref_slice %arg3[%mul3A_2] : memref<16384xi32, #tpu.memory_space<hbm>> -> memref<512xi32, #tpu.memory_space<hbm>>
      tpu.wait_dma2 semaphore(%run_scoped3A : memref<!tpu.dma_semaphore, #tpu.memory_space<semaphore_mem>>) src(%dma_wait3A_68 : memref<512xi32, #tpu.memory_space<hbm>>) dst(%arg5 : memref<512xi32, #tpu.memory_space<vmem>>)
      tpu.yield
    }) : () -> ()
    %dma_start3A = arith.constant 0 : i32
    %dma_start3A_3 = arith.constant 0 : i32
    %dma_start3A_4 = tpu.memref_slice %arg6[%dma_start3A, %dma_start3A_3] : memref<512x32xf32, #tpu.memory_space<vmem>> -> memref<128x32xf32, #tpu.memory_space<vmem>>
    %dma_start3A_5 = arith.constant 0 : i32
    %dma_start3A_6 = tpu.memref_slice %arg5[%dma_start3A_5] : memref<512xi32, #tpu.memory_space<vmem>> -> memref<128xi32, #tpu.memory_space<vmem>>
    %dma_start3A_7 = arith.constant 0 : i32
    %dma_start3A_8 = arith.constant 0 : i32
    %dma_start3A_9 = tpu.memref_slice %arg2[%dma_start3A_7, %dma_start3A_8] : memref<8192x32xf32, #tpu.memory_space<hbm>> -> memref<8192x32xf32, #tpu.memory_space<hbm>>
    tpu.enqueue_indirect_dma source(%dma_start3A_9 : memref<8192x32xf32, #tpu.memory_space<hbm>>) target(%dma_start3A_4 : memref<128x32xf32, #tpu.memory_space<vmem>>) offsets(%dma_start3A_6 : memref<128xi32, #tpu.memory_space<vmem>>) semaphore(%arg7 : memref<!tpu.dma_semaphore, #tpu.memory_space<semaphore_mem>>)
    %dma_wait3A = arith.constant 0 : i32
    %dma_wait3A_10 = arith.constant 0 : i32
    %dma_wait3A_11 = tpu.memref_slice %arg6[%dma_wait3A, %dma_wait3A_10] : memref<512x32xf32, #tpu.memory_space<vmem>> -> memref<128x32xf32, #tpu.memory_space<vmem>>
    %dma_wait3A_12 = arith.constant 0 : i32
    %dma_wait3A_13 = tpu.memref_slice %arg5[%dma_wait3A_12] : memref<512xi32, #tpu.memory_space<vmem>> -> memref<128xi32, #tpu.memory_space<vmem>>
    %dma_wait3A_14 = arith.constant 0 : i32
    %dma_wait3A_15 = arith.constant 0 : i32
    %dma_wait3A_16 = tpu.memref_slice %arg2[%dma_wait3A_14, %dma_wait3A_15] : memref<8192x32xf32, #tpu.memory_space<hbm>> -> memref<8192x32xf32, #tpu.memory_space<hbm>>
    tpu.wait_indirect_dma semaphore(%arg7 : memref<!tpu.dma_semaphore, #tpu.memory_space<semaphore_mem>>) src(%dma_wait3A_16 : memref<8192x32xf32, #tpu.memory_space<hbm>>) dst(%dma_wait3A_11 : memref<128x32xf32, #tpu.memory_space<vmem>>)
    %dma_start3A_17 = arith.constant 128 : i32
    %dma_start3A_18 = arith.constant 0 : i32
    %dma_start3A_19 = tpu.memref_slice %arg6[%dma_start3A_17, %dma_start3A_18] : memref<512x32xf32, #tpu.memory_space<vmem>> -> memref<128x32xf32, #tpu.memory_space<vmem>>
    %dma_start3A_20 = arith.constant 128 : i32
    %dma_start3A_21 = tpu.memref_slice %arg5[%dma_start3A_20] : memref<512xi32, #tpu.memory_space<vmem>> -> memref<128xi32, #tpu.memory_space<vmem>>
    %dma_start3A_22 = arith.constant 0 : i32
    %dma_start3A_23 = arith.constant 0 : i32
    %dma_start3A_24 = tpu.memref_slice %arg2[%dma_start3A_22, %dma_start3A_23] : memref<8192x32xf32, #tpu.memory_space<hbm>> -> memref<8192x32xf32, #tpu.memory_space<hbm>>
    tpu.enqueue_indirect_dma source(%dma_start3A_24 : memref<8192x32xf32, #tpu.memory_space<hbm>>) target(%dma_start3A_19 : memref<128x32xf32, #tpu.memory_space<vmem>>) offsets(%dma_start3A_21 : memref<128xi32, #tpu.memory_space<vmem>>) semaphore(%arg7 : memref<!tpu.dma_semaphore, #tpu.memory_space<semaphore_mem>>)
    %dma_wait3A_25 = arith.constant 128 : i32
    %dma_wait3A_26 = arith.constant 0 : i32
    %dma_wait3A_27 = tpu.memref_slice %arg6[%dma_wait3A_25, %dma_wait3A_26] : memref<512x32xf32, #tpu.memory_space<vmem>> -> memref<128x32xf32, #tpu.memory_space<vmem>>
    %dma_wait3A_28 = arith.constant 128 : i32
    %dma_wait3A_29 = tpu.memref_slice %arg5[%dma_wait3A_28] : memref<512xi32, #tpu.memory_space<vmem>> -> memref<128xi32, #tpu.memory_space<vmem>>
    %dma_wait3A_30 = arith.constant 0 : i32
    %dma_wait3A_31 = arith.constant 0 : i32
    %dma_wait3A_32 = tpu.memref_slice %arg2[%dma_wait3A_30, %dma_wait3A_31] : memref<8192x32xf32, #tpu.memory_space<hbm>> -> memref<8192x32xf32, #tpu.memory_space<hbm>>
    tpu.wait_indirect_dma semaphore(%arg7 : memref<!tpu.dma_semaphore, #tpu.memory_space<semaphore_mem>>) src(%dma_wait3A_32 : memref<8192x32xf32, #tpu.memory_space<hbm>>) dst(%dma_wait3A_27 : memref<128x32xf32, #tpu.memory_space<vmem>>)
    %dma_start3A_33 = arith.constant 256 : i32
    %dma_start3A_34 = arith.constant 0 : i32
    %dma_start3A_35 = tpu.memref_slice %arg6[%dma_start3A_33, %dma_start3A_34] : memref<512x32xf32, #tpu.memory_space<vmem>> -> memref<128x32xf32, #tpu.memory_space<vmem>>
    %dma_start3A_36 = arith.constant 256 : i32
    %dma_start3A_37 = tpu.memref_slice %arg5[%dma_start3A_36] : memref<512xi32, #tpu.memory_space<vmem>> -> memref<128xi32, #tpu.memory_space<vmem>>
    %dma_start3A_38 = arith.constant 0 : i32
    %dma_start3A_39 = arith.constant 0 : i32
    %dma_start3A_40 = tpu.memref_slice %arg2[%dma_start3A_38, %dma_start3A_39] : memref<8192x32xf32, #tpu.memory_space<hbm>> -> memref<8192x32xf32, #tpu.memory_space<hbm>>
    tpu.enqueue_indirect_dma source(%dma_start3A_40 : memref<8192x32xf32, #tpu.memory_space<hbm>>) target(%dma_start3A_35 : memref<128x32xf32, #tpu.memory_space<vmem>>) offsets(%dma_start3A_37 : memref<128xi32, #tpu.memory_space<vmem>>) semaphore(%arg7 : memref<!tpu.dma_semaphore, #tpu.memory_space<semaphore_mem>>)
    %dma_wait3A_41 = arith.constant 256 : i32
    %dma_wait3A_42 = arith.constant 0 : i32
    %dma_wait3A_43 = tpu.memref_slice %arg6[%dma_wait3A_41, %dma_wait3A_42] : memref<512x32xf32, #tpu.memory_space<vmem>> -> memref<128x32xf32, #tpu.memory_space<vmem>>
    %dma_wait3A_44 = arith.constant 256 : i32
    %dma_wait3A_45 = tpu.memref_slice %arg5[%dma_wait3A_44] : memref<512xi32, #tpu.memory_space<vmem>> -> memref<128xi32, #tpu.memory_space<vmem>>
    %dma_wait3A_46 = arith.constant 0 : i32
    %dma_wait3A_47 = arith.constant 0 : i32
    %dma_wait3A_48 = tpu.memref_slice %arg2[%dma_wait3A_46, %dma_wait3A_47] : memref<8192x32xf32, #tpu.memory_space<hbm>> -> memref<8192x32xf32, #tpu.memory_space<hbm>>
    tpu.wait_indirect_dma semaphore(%arg7 : memref<!tpu.dma_semaphore, #tpu.memory_space<semaphore_mem>>) src(%dma_wait3A_48 : memref<8192x32xf32, #tpu.memory_space<hbm>>) dst(%dma_wait3A_43 : memref<128x32xf32, #tpu.memory_space<vmem>>)
    %dma_start3A_49 = arith.constant 384 : i32
    %dma_start3A_50 = arith.constant 0 : i32
    %dma_start3A_51 = tpu.memref_slice %arg6[%dma_start3A_49, %dma_start3A_50] : memref<512x32xf32, #tpu.memory_space<vmem>> -> memref<128x32xf32, #tpu.memory_space<vmem>>
    %dma_start3A_52 = arith.constant 384 : i32
    %dma_start3A_53 = tpu.memref_slice %arg5[%dma_start3A_52] : memref<512xi32, #tpu.memory_space<vmem>> -> memref<128xi32, #tpu.memory_space<vmem>>
    %dma_start3A_54 = arith.constant 0 : i32
    %dma_start3A_55 = arith.constant 0 : i32
    %dma_start3A_56 = tpu.memref_slice %arg2[%dma_start3A_54, %dma_start3A_55] : memref<8192x32xf32, #tpu.memory_space<hbm>> -> memref<8192x32xf32, #tpu.memory_space<hbm>>
    tpu.enqueue_indirect_dma source(%dma_start3A_56 : memref<8192x32xf32, #tpu.memory_space<hbm>>) target(%dma_start3A_51 : memref<128x32xf32, #tpu.memory_space<vmem>>) offsets(%dma_start3A_53 : memref<128xi32, #tpu.memory_space<vmem>>) semaphore(%arg7 : memref<!tpu.dma_semaphore, #tpu.memory_space<semaphore_mem>>)
    %dma_wait3A_57 = arith.constant 384 : i32
    %dma_wait3A_58 = arith.constant 0 : i32
    %dma_wait3A_59 = tpu.memref_slice %arg6[%dma_wait3A_57, %dma_wait3A_58] : memref<512x32xf32, #tpu.memory_space<vmem>> -> memref<128x32xf32, #tpu.memory_space<vmem>>
    %dma_wait3A_60 = arith.constant 384 : i32
    %dma_wait3A_61 = tpu.memref_slice %arg5[%dma_wait3A_60] : memref<512xi32, #tpu.memory_space<vmem>> -> memref<128xi32, #tpu.memory_space<vmem>>
    %dma_wait3A_62 = arith.constant 0 : i32
    %dma_wait3A_63 = arith.constant 0 : i32
    %dma_wait3A_64 = tpu.memref_slice %arg2[%dma_wait3A_62, %dma_wait3A_63] : memref<8192x32xf32, #tpu.memory_space<hbm>> -> memref<8192x32xf32, #tpu.memory_space<hbm>>
    tpu.wait_indirect_dma semaphore(%arg7 : memref<!tpu.dma_semaphore, #tpu.memory_space<semaphore_mem>>) src(%dma_wait3A_64 : memref<8192x32xf32, #tpu.memory_space<hbm>>) dst(%dma_wait3A_59 : memref<128x32xf32, #tpu.memory_space<vmem>>)
    "tpu.region"() ({
      %run_scoped3A = tpu.sem_alloc : memref<!tpu.dma_semaphore, #tpu.memory_space<semaphore_mem>>
      %dma_start3A_65 = arith.constant 0 : i32
      %dma_start3A_66 = tpu.memref_slice %arg4[%mul3A_2, %dma_start3A_65] : memref<16384x32xf32, #tpu.memory_space<hbm>> -> memref<512x32xf32, #tpu.memory_space<hbm>>
      %dma_start3A_67 = arith.constant 0 : i32
      %dma_start3A_68 = tpu.memref_slice %arg4[%mul3A_2, %dma_start3A_67] : memref<16384x32xf32, #tpu.memory_space<hbm>> -> memref<512x32xf32, #tpu.memory_space<hbm>>
      tpu.enqueue_dma source(%arg6 : memref<512x32xf32, #tpu.memory_space<vmem>>) target(%dma_start3A_68 : memref<512x32xf32, #tpu.memory_space<hbm>>) target_semaphore(%run_scoped3A : memref<!tpu.dma_semaphore, #tpu.memory_space<semaphore_mem>>)
      %dma_wait3A_69 = arith.constant 0 : i32
      %dma_wait3A_70 = tpu.memref_slice %arg4[%mul3A_2, %dma_wait3A_69] : memref<16384x32xf32, #tpu.memory_space<hbm>> -> memref<512x32xf32, #tpu.memory_space<hbm>>
      %dma_wait3A_71 = arith.constant 0 : i32
      %dma_wait3A_72 = tpu.memref_slice %arg4[%mul3A_2, %dma_wait3A_71] : memref<16384x32xf32, #tpu.memory_space<hbm>> -> memref<512x32xf32, #tpu.memory_space<hbm>>
      tpu.wait_dma2 semaphore(%run_scoped3A : memref<!tpu.dma_semaphore, #tpu.memory_space<semaphore_mem>>) src(%arg6 : memref<512x32xf32, #tpu.memory_space<vmem>>) dst(%dma_wait3A_72 : memref<512x32xf32, #tpu.memory_space<hbm>>)
      tpu.yield
    }) : () -> ()
    return
  }
}

module attributes {stable_mosaic.version = 14 : i64} {
  func.func @_proj_body(%arg0: memref<8192x32xf32, #tpu.memory_space<vmem>>, %arg1: memref<32x32xf32, #tpu.memory_space<vmem>>, %arg2: memref<1x32xf32, #tpu.memory_space<vmem>>, %arg3: memref<32x1xf32, #tpu.memory_space<vmem>>, %arg4: memref<8192x32xf32, #tpu.memory_space<vmem>>, %arg5: memref<32x8192xf32, #tpu.memory_space<vmem>>, %arg6: memref<1x8192xf32, #tpu.memory_space<vmem>>) attributes {dimension_semantics = [], scalar_prefetch = 0 : i64, scratch_operands = 0 : i64, tpu.core_type = #tpu.core_type<tc>} {
    %get3A = arith.constant 0 : index
    %get3A_0 = arith.constant 0 : index
    %get3A_1 = vector.load %arg0[%get3A, %get3A_0] : memref<8192x32xf32, #tpu.memory_space<vmem>>, vector<8192x32xf32>
    %get3A_2 = arith.constant 0 : index
    %get3A_3 = arith.constant 0 : index
    %get3A_4 = vector.load %arg1[%get3A_2, %get3A_3] : memref<32x32xf32, #tpu.memory_space<vmem>>, vector<32x32xf32>
    %dot_general3A = arith.constant dense<0.000000e+00> : vector<8192x32xf32>
    %dot_general3A_5 = tpu.matmul %get3A_1, %get3A_4, %dot_general3A {dimension_numbers = #tpu.dot_dimension_numbers<[1], [1], [0], [0], [0, 0, 1, 0], [], []>, transpose_lhs_hint = false} : vector<8192x32xf32>, vector<32x32xf32>, vector<8192x32xf32> -> vector<8192x32xf32>
    %get3A_6 = arith.constant 0 : index
    %get3A_7 = arith.constant 0 : index
    %get3A_8 = vector.load %arg2[%get3A_6, %get3A_7] : memref<1x32xf32, #tpu.memory_space<vmem>>, vector<1x32xf32>
    %add3A = vector.broadcast %get3A_8 : vector<1x32xf32> to vector<8192x32xf32>
    %add3A_9 = arith.addf %dot_general3A_5, %add3A : vector<8192x32xf32>
    %swap3A = arith.constant 0 : index
    %swap3A_10 = arith.constant 0 : index
    %swap3A_11 = vector.load %arg4[%swap3A, %swap3A_10] : memref<8192x32xf32, #tpu.memory_space<vmem>>, vector<8192x32xf32>
    tpu.vector_store %arg4[%swap3A, %swap3A_10], %add3A_9 {strides = array<i32>} : memref<8192x32xf32, #tpu.memory_space<vmem>>, vector<8192x32xf32>,
    %dot_general3A_12 = arith.constant dense<0.000000e+00> : vector<32x8192xf32>
    %dot_general3A_13 = tpu.matmul %get3A_4, %get3A_1, %dot_general3A_12 {dimension_numbers = #tpu.dot_dimension_numbers<[1], [1], [0], [0], [0, 0, 1, 0], [], []>, transpose_lhs_hint = false} : vector<32x32xf32>, vector<8192x32xf32>, vector<32x8192xf32> -> vector<32x8192xf32>
    %get3A_14 = arith.constant 0 : index
    %get3A_15 = arith.constant 0 : index
    %get3A_16 = vector.load %arg3[%get3A_14, %get3A_15] : memref<32x1xf32, #tpu.memory_space<vmem>>, vector<32x1xf32>
    %add3A_17 = vector.broadcast %get3A_16 : vector<32x1xf32> to vector<32x8192xf32>
    %add3A_18 = arith.addf %dot_general3A_13, %add3A_17 : vector<32x8192xf32>
    %mul3A = arith.constant -2.000000e+00 : f32
    %mul3A_19 = vector.broadcast %mul3A : f32 to vector<32x8192xf32>
    %mul3A_20 = arith.mulf %mul3A_19, %add3A_18 : vector<32x8192xf32>
    %swap3A_21 = arith.constant 0 : index
    %swap3A_22 = arith.constant 0 : index
    %swap3A_23 = vector.load %arg5[%swap3A_21, %swap3A_22] : memref<32x8192xf32, #tpu.memory_space<vmem>>, vector<32x8192xf32>
    tpu.vector_store %arg5[%swap3A_21, %swap3A_22], %mul3A_20 {strides = array<i32>} : memref<32x8192xf32, #tpu.memory_space<vmem>>, vector<32x8192xf32>,
    %mul3A_24 = arith.mulf %add3A_18, %add3A_18 : vector<32x8192xf32>
    %reduce_sum3A = arith.constant dense<0.000000e+00> : vector<8192xf32>
    %reduce_sum3A_25 = vector.multi_reduction <add>, %mul3A_24, %reduce_sum3A [0] : vector<32x8192xf32> to vector<8192xf32>
    %broadcast_in_dim3A = vector.shape_cast %reduce_sum3A_25 : vector<8192xf32> to vector<1x8192xf32>
    %swap3A_26 = arith.constant 0 : index
    %swap3A_27 = arith.constant 0 : index
    %swap3A_28 = vector.load %arg6[%swap3A_26, %swap3A_27] : memref<1x8192xf32, #tpu.memory_space<vmem>>, vector<1x8192xf32>
    tpu.vector_store %arg6[%swap3A_26, %swap3A_27], %broadcast_in_dim3A {strides = array<i32>} : memref<1x8192xf32, #tpu.memory_space<vmem>>, vector<1x8192xf32>,
    return
  }
}

module attributes {stable_mosaic.version = 14 : i64} {
  func.func @_dist_body(%arg0: i32, %arg1: memref<256x32xf32, #tpu.memory_space<vmem>>, %arg2: memref<32x8192xf32, #tpu.memory_space<vmem>>, %arg3: memref<1x8192xf32, #tpu.memory_space<vmem>>, %arg4: memref<8192x3xbf16, #tpu.memory_space<vmem>>, %arg5: memref<256x1xi32, #tpu.memory_space<vmem>>, %arg6: memref<256x1xf32, #tpu.memory_space<vmem>>) attributes {dimension_semantics = [#tpu.dimension_semantics<arbitrary>], iteration_bounds = array<i64: 64>, scalar_prefetch = 0 : i64, scratch_operands = 0 : i64, tpu.core_type = #tpu.core_type<tc>, window_params = [{transform_indices = @transform_0, window_bounds = array<i64: 256, 32>}, {pipeline_mode = #tpu.pipeline_mode<synchronous>, transform_indices = @transform_1, window_bounds = array<i64: 32, 8192>}, {pipeline_mode = #tpu.pipeline_mode<synchronous>, transform_indices = @transform_2, window_bounds = array<i64: 1, 8192>}, {pipeline_mode = #tpu.pipeline_mode<synchronous>, transform_indices = @transform_3, window_bounds = array<i64: 8192, 3>}, {transform_indices = @transform_4, window_bounds = array<i64: 256, 1>}, {transform_indices = @transform_5, window_bounds = array<i64: 256, 1>}]} {
    %get3A = arith.constant 0 : index
    %get3A_0 = arith.constant 0 : index
    %get3A_1 = vector.load %arg1[%get3A, %get3A_0] : memref<256x32xf32, #tpu.memory_space<vmem>>, vector<256x32xf32>
    %get3A_2 = arith.constant 0 : index
    %get3A_3 = arith.constant 0 : index
    %get3A_4 = vector.load %arg2[%get3A_2, %get3A_3] : memref<32x8192xf32, #tpu.memory_space<vmem>>, vector<32x8192xf32>
    %dot_general3A = arith.constant dense<0.000000e+00> : vector<256x8192xf32>
    %dot_general3A_5 = tpu.matmul %get3A_1, %get3A_4, %dot_general3A {dimension_numbers = #tpu.dot_dimension_numbers<[1], [0], [0], [1], [0, 0, 1, 1], [], []>, transpose_lhs_hint = false} : vector<256x32xf32>, vector<32x8192xf32>, vector<256x8192xf32> -> vector<256x8192xf32>
    %mul3A = arith.mulf %get3A_1, %get3A_1 : vector<256x32xf32>
    %reduce_sum3A = arith.constant dense<0.000000e+00> : vector<256xf32>
    %reduce_sum3A_6 = vector.multi_reduction <add>, %mul3A, %reduce_sum3A [1] : vector<256x32xf32> to vector<256xf32>
    %broadcast_in_dim3A = vector.shape_cast %reduce_sum3A_6 : vector<256xf32> to vector<256x1xf32>
    %get3A_7 = arith.constant 0 : index
    %get3A_8 = arith.constant 0 : index
    %get3A_9 = vector.load %arg3[%get3A_7, %get3A_8] : memref<1x8192xf32, #tpu.memory_space<vmem>>, vector<1x8192xf32>
    %add3A = vector.broadcast %broadcast_in_dim3A : vector<256x1xf32> to vector<256x8192xf32>
    %add3A_10 = vector.broadcast %get3A_9 : vector<1x8192xf32> to vector<256x8192xf32>
    %add3A_11 = arith.addf %add3A, %add3A_10 : vector<256x8192xf32>
    %add3A_12 = arith.addf %add3A_11, %dot_general3A_5 : vector<256x8192xf32>
    %reduce_min3A = arith.constant dense<0x7F800000> : vector<256xf32>
    %reduce_min3A_13 = vector.multi_reduction <minimumf>, %add3A_12, %reduce_min3A [1] : vector<256x8192xf32> to vector<256xf32>
    %broadcast_in_dim3A_14 = vector.shape_cast %reduce_min3A_13 : vector<256xf32> to vector<256x1xf32>
    %mul3A_15 = arith.constant 2.08136892 : f32
    %mul3A_16 = vector.broadcast %mul3A_15 : f32 to vector<256x8192xf32>
    %mul3A_17 = arith.mulf %add3A_12, %mul3A_16 : vector<256x8192xf32>
    %max3A = arith.constant 9.99999991E-38 : f32
    %max3A_18 = vector.broadcast %max3A : f32 to vector<256x8192xf32>
    %max3A_19 = arith.maximumf %mul3A_17, %max3A_18 : vector<256x8192xf32>
    %rsqrt3A = math.rsqrt %max3A_19 : vector<256x8192xf32>
    %mul3A_20 = arith.mulf %max3A_19, %rsqrt3A : vector<256x8192xf32>
    %neg3A = arith.constant 0.000000e+00 : f32
    %neg3A_21 = vector.broadcast %neg3A : f32 to vector<256x8192xf32>
    %neg3A_22 = arith.subf %neg3A_21, %mul3A_20 : vector<256x8192xf32>
    %exp23A = math.exp2 %neg3A_22 : vector<256x8192xf32>
    %reduce_sum3A_23 = arith.constant dense<0.000000e+00> : vector<256xf32>
    %reduce_sum3A_24 = vector.multi_reduction <add>, %exp23A, %reduce_sum3A_23 [1] : vector<256x8192xf32> to vector<256xf32>
    %broadcast_in_dim3A_25 = vector.shape_cast %reduce_sum3A_24 : vector<256xf32> to vector<256x1xf32>
    %max3A_26 = arith.constant 0.000000e+00 : f32
    %max3A_27 = vector.broadcast %max3A_26 : f32 to vector<256x1xf32>
    %max3A_28 = arith.maximumf %broadcast_in_dim3A_14, %max3A_27 : vector<256x1xf32>
    %sqrt3A = math.sqrt %max3A_28 : vector<256x1xf32>
    %log3A = math.log %broadcast_in_dim3A_25 : vector<256x1xf32>
    %add3A_29 = arith.addf %log3A, %sqrt3A : vector<256x1xf32>
    %swap3A = arith.constant 0 : index
    %swap3A_30 = arith.constant 0 : index
    %swap3A_31 = vector.load %arg6[%swap3A, %swap3A_30] : memref<256x1xf32, #tpu.memory_space<vmem>>, vector<256x1xf32>
    tpu.vector_store %arg6[%swap3A, %swap3A_30], %add3A_29 {strides = array<i32>} : memref<256x1xf32, #tpu.memory_space<vmem>>, vector<256x1xf32>,
    %max3A_32 = arith.constant 0.000000e+00 : f32
    %max3A_33 = vector.broadcast %max3A_32 : f32 to vector<256x1xf32>
    %max3A_34 = arith.maximumf %broadcast_in_dim3A_14, %max3A_33 : vector<256x1xf32>
    %mul3A_35 = arith.constant 1.00000095 : f32
    %mul3A_36 = vector.broadcast %mul3A_35 : f32 to vector<256x1xf32>
    %mul3A_37 = arith.mulf %max3A_34, %mul3A_36 : vector<256x1xf32>
    %le3A = vector.broadcast %mul3A_37 : vector<256x1xf32> to vector<256x8192xf32>
    %le3A_38 = arith.cmpf ole, %add3A_12, %le3A : vector<256x8192xf32>
    %convert_element_type3A = arith.extui %le3A_38 : vector<256x8192xi1> to vector<256x8192xi32>
    %convert_element_type3A_39 = arith.sitofp %convert_element_type3A : vector<256x8192xi32> to vector<256x8192xf32>
    %convert_element_type3A_40 = arith.truncf %convert_element_type3A_39 : vector<256x8192xf32> to vector<256x8192xbf16>
    %get3A_41 = arith.constant 0 : index
    %get3A_42 = arith.constant 0 : index
    %get3A_43 = vector.load %arg4[%get3A_41, %get3A_42] : memref<8192x3xbf16, #tpu.memory_space<vmem>>, vector<8192x3xbf16>
    %dot_general3A_44 = arith.constant dense<0.000000e+00> : vector<256x3xf32>
    %dot_general3A_45 = tpu.matmul %convert_element_type3A_40, %get3A_43, %dot_general3A_44 {dimension_numbers = #tpu.dot_dimension_numbers<[1], [0], [0], [1], [0, 0, 1, 1], [], []>, transpose_lhs_hint = false} : vector<256x8192xbf16>, vector<8192x3xbf16>, vector<256x3xf32> -> vector<256x3xf32>
    %slice3A = vector.extract_strided_slice %dot_general3A_45 {offsets = [0, 0], sizes = [256, 1], strides = [1, 1]} : vector<256x3xf32> to vector<256x1xf32>
    %slice3A_46 = vector.extract_strided_slice %dot_general3A_45 {offsets = [0, 1], sizes = [256, 1], strides = [1, 1]} : vector<256x3xf32> to vector<256x1xf32>
    %mul3A_47 = arith.constant 6.400000e+01 : f32
    %mul3A_48 = vector.broadcast %mul3A_47 : f32 to vector<256x1xf32>
    %mul3A_49 = arith.mulf %mul3A_48, %slice3A_46 : vector<256x1xf32>
    %slice3A_50 = vector.extract_strided_slice %dot_general3A_45 {offsets = [0, 2], sizes = [256, 1], strides = [1, 1]} : vector<256x3xf32> to vector<256x1xf32>
    %add3A_51 = arith.addf %mul3A_49, %slice3A_50 : vector<256x1xf32>
    %reduce_max3A = vector.shape_cast %slice3A : vector<256x1xf32> to vector<1x256x1xf32>
    %reduce_max3A_52 = arith.constant dense<0xFF800000> : vector<1xf32>
    %reduce_max3A_53 = vector.multi_reduction <maximumf>, %reduce_max3A, %reduce_max3A_52 [1, 2] : vector<1x256x1xf32> to vector<1xf32>
    %reduce_max3A_54 = vector.shape_cast %reduce_max3A_53 : vector<1xf32> to vector<1x1x1xf32>
    %reduce_max3A_55 = vector.extract %reduce_max3A_54[0, 0, 0] : f32 from vector<1x1x1xf32>
    %gt3A = arith.constant 1.500000e+00 : f32
    %gt3A_56 = arith.cmpf ogt, %reduce_max3A_55, %gt3A : f32
    %not3A = arith.constant true
    %not3A_57 = arith.xori %gt3A_56, %not3A : i1
    %convert_element_type3A_58 = arith.extui %not3A_57 : i1 to i32
    %cond3A = arith.constant 0 : i32
    %cond3A_59 = arith.cmpi ne, %convert_element_type3A_58, %cond3A : i32
    scf.if %cond3A_59 {
      %convert_element_type3A_63 = arith.fptosi %add3A_51 : vector<256x1xf32> to vector<256x1xi32>
      %swap3A_64 = arith.constant 0 : index
      %swap3A_65 = arith.constant 0 : index
      %swap3A_66 = vector.load %arg5[%swap3A_64, %swap3A_65] : memref<256x1xi32, #tpu.memory_space<vmem>>, vector<256x1xi32>
      tpu.vector_store %arg5[%swap3A_64, %swap3A_65], %convert_element_type3A_63 {strides = array<i32>} : memref<256x1xi32, #tpu.memory_space<vmem>>, vector<256x1xi32>,
    } else {
    }
    %convert_element_type3A_60 = arith.extui %gt3A_56 : i1 to i32
    %cond3A_61 = arith.constant 0 : i32
    %cond3A_62 = arith.cmpi ne, %convert_element_type3A_60, %cond3A_61 : i32
    scf.if %cond3A_62 {
      %max3A_63 = arith.constant 0.000000e+00 : f32
      %max3A_64 = vector.broadcast %max3A_63 : f32 to vector<256x8192xf32>
      %max3A_65 = arith.maximumf %add3A_12, %max3A_64 : vector<256x8192xf32>
      %sqrt3A_66 = math.sqrt %max3A_65 : vector<256x8192xf32>
      %iota3A = tpu.iota {dimensions = array<i32: 1>} : vector<256x8192xi32>
      %eq3A = vector.broadcast %sqrt3A : vector<256x1xf32> to vector<256x8192xf32>
      %eq3A_67 = arith.cmpf oeq, %sqrt3A_66, %eq3A : vector<256x8192xf32>
      %jit3A = arith.constant 8192 : i32
      %broadcast_in_dim3A_68 = vector.broadcast %jit3A : i32 to vector<256x8192xi32>
      %select_n3A = arith.select %eq3A_67, %iota3A, %broadcast_in_dim3A_68 : vector<256x8192xi1>, vector<256x8192xi32>
      %reduce_min3A_69 = arith.constant dense<2147483647> : vector<256xi32>
      %reduce_min3A_70 = vector.multi_reduction <minsi>, %select_n3A, %reduce_min3A_69 [1] : vector<256x8192xi32> to vector<256xi32>
      %broadcast_in_dim3A_71 = vector.shape_cast %reduce_min3A_70 : vector<256xi32> to vector<256x1xi32>
      %swap3A_72 = arith.constant 0 : index
      %swap3A_73 = arith.constant 0 : index
      %swap3A_74 = vector.load %arg5[%swap3A_72, %swap3A_73] : memref<256x1xi32, #tpu.memory_space<vmem>>, vector<256x1xi32>
      tpu.vector_store %arg5[%swap3A_72, %swap3A_73], %broadcast_in_dim3A_71 {strides = array<i32>} : memref<256x1xi32, #tpu.memory_space<vmem>>, vector<256x1xi32>,
    } else {
    }
    return
  }
  func.func @transform_0(%arg0: i32) -> (i32, i32) {
    %c0_i32 = arith.constant 0 : i32
    %c0_i32_0 = arith.constant 0 : i32
    return %arg0, %c0_i32 : i32, i32
  }
  func.func @transform_1(%arg0: i32) -> (i32, i32) {
    %c0_i32 = arith.constant 0 : i32
    %c0_i32_0 = arith.constant 0 : i32
    %c0_i32_1 = arith.constant 0 : i32
    return %c0_i32, %c0_i32_0 : i32, i32
  }
  func.func @transform_2(%arg0: i32) -> (i32, i32) {
    %c0_i32 = arith.constant 0 : i32
    %c0_i32_0 = arith.constant 0 : i32
    %c0_i32_1 = arith.constant 0 : i32
    return %c0_i32, %c0_i32_0 : i32, i32
  }
  func.func @transform_3(%arg0: i32) -> (i32, i32) {
    %c0_i32 = arith.constant 0 : i32
    %c0_i32_0 = arith.constant 0 : i32
    %c0_i32_1 = arith.constant 0 : i32
    return %c0_i32, %c0_i32_0 : i32, i32
  }
  func.func @transform_4(%arg0: i32) -> (i32, i32) {
    %c0_i32 = arith.constant 0 : i32
    %c0_i32_0 = arith.constant 0 : i32
    return %arg0, %c0_i32 : i32, i32
  }
  func.func @transform_5(%arg0: i32) -> (i32, i32) {
    %c0_i32 = arith.constant 0 : i32
    %c0_i32_0 = arith.constant 0 : i32
    return %arg0, %c0_i32 : i32, i32
  }
}

</mosaic_0001>

<sc_bundles>
// kernel: kernel.5.cloned.1.call-start
scs
__scs_entry_jumppad:
0x0: {  	(pc) =	sbr.rel $0x88, $3  }
0x1: {  	(tag) =	ssettag $0x0;
	lr =	simm.s32 $0x1  }
0x2: {  	[smem:$0x3F9D] =	sst lr;
	_ =	strace $0xD0000000  }
0x3: {  	_ = 	snop  }
0x4: {  	_ = 	snop  }
0x5: {  	_ = 	snop  }
0x6: {  	_ = 	snop  }
0x7: {  	_ = 	snop  }
__scs_overlays_trampoline_lowered:
0x8: {  	[smem:$0x3FAC] =	sst s0  }
0x9: {  	[smem:$0x3FAD] =	sst s1  }
0xa: {  	[smem:$0x3FAE] =	sst s2  }
0xb: {  	[smem:$0x3FAF] =	sst s3  }
0xc: {  	[smem:$0x3FB0] =	sst s4  }
0xd: {  	[smem:$0x3FB1] =	sst s5  }
0xe: {  	[smem:$0x3FB2] =	sst s6  }
0xf: {  	[smem:$0x3FB3] =	sst s7  }
0x10: {  	[smem:$0x3FB4] =	sst s8  }
0x11: {  	[smem:$0x3FB5] =	sst s9;
	s0 =	simm.s32 @!p0 $0x0  }
0x12: {  	s1 =	sld [smem:$0x3F9B];
	s0 =	simm.s32 @p0 $0x1  }
0x13: {  	[smem:$0x3FB6] =	sst s0;
	s0 =	simm.s32 @!p1 $0x0  }
0x14: {  	s2 =	sld [smem:$0x3F9A];
	s0 =	simm.s32 @p1 $0x1  }
0x15: {  	[smem:$0x3FB7] =	sst s0;
	s0 =	simm.s32 @!p2 $0x0  }
0x16: {  	s3 =	sld [smem:$0x3FDB];
	s0 =	simm.s32 @p2 $0x1  }
0x17: {  	s4 =	simm.s32 $0x1BF5;
	[smem:$0x3FB9] =	sst s0  }
0x18: {  	s0 =	sld [smem:$0x3F9C];
	_ =	swait.ge [sflag:s4], $0x0  }
0x19: {  	s7 =	sld [smem:$0x3F9D]  }
0x1a: {  	s8 =	sadd.s32 $0xFFFFE003, lr  }
0x1b: {  	s9 =	sadd.s32 $0xFFFFFEF7, lr;
	s5 =	simm.s32 $0xFFFFFFFF;
	p2 =	slt.u32 s8, $0xFFFFF086  }
0x1c: {  	p1 =	slt.u32 s9, $0xF7A;
	s5 =	simm.s32 @!p2 $0x0  }
0x1d: {  	s5 =	simm.s32 @p1 $0x1;
	p0 =	seq.s32 s7, s2  }
0x1e: {  	s7 =	smul.u32 @!p0 $0xF7A, s2;
	p2 =	seq.s32 @!p0 s5, $0x0  }
0x1f: {  	s9 =	smul.u32 $0xF7A, s1;
	s8 =	simm.s32 @!p0 $0x1BF5;
	p2 =	por !p2, p0  }
0x20: {  	[sflag:s8] =	ssyncset.s32 @!p0 $0xFFFFF086;
	s6 =	sadd.s32 @!p0 s3, s7;
	s7 =	simm.s32 @!p0 $0x108  }
0x21: {  	s3 =	sadd.s32 s3, s9;
	s6 =	sadd.s32 @!p0 $0x88, s6;
	s7 =	simm.s32 @p2 $0x1082  }
0x22: {  	[simem:s7], [sflag:s8] =	dma.local @!p0 [hbm:s6], $0xF7A  }
0x23: {  	s9 =	sor.u32 $0xD0000000, s2;
	s6 =	simm.s32 $0x108;
	_ =	swait.ge @!p0 [sflag:s8], $0x0  }
0x24: {  	s3 =	sadd.s32 $0x88, s3;
	s6 =	simm.s32 @!p1 $0x1082;
	[sflag:s4] =	ssyncset.s32 $0xFFFFF086  }
0x25: {  	[simem:s6], [sflag:s4] =	dma.local [hbm:s3], $0xF7A  }
0x26: {  	[smem:$0x3F9D] =	sst s1;
	(tag) =	ssettag s2;
	_ =	strace s9  }
0x27: {  	s1 =	sld [smem:$0x3FAD]  }
0x28: {  	s2 =	sld [smem:$0x3FAE]  }
0x29: {  	s4 =	sld [smem:$0x3FB0]  }
0x2a: {  	p0 =	seq.s32 s5, $0x0;
	s5 =	sld [smem:$0x3FB1]  }
0x2b: {  	s6 =	sld [smem:$0x3FB2]  }
0x2c: {  	s7 =	sld [smem:$0x3FB3]  }
0x2d: {  	s3 =	simm.s32 $0x108;
	s8 =	sld [smem:$0x3FB4]  }
0x2e: {  	s3 =	simm.s32 @!p0 $0x1082;
	s9 =	sld [smem:$0x3FB5]  }
0x2f: {  	lr =	sadd.s32 s0, s3;
	s0 =	sld [smem:$0x3FAC]  }
0x30: {  	s3 =	sld [smem:$0x3FAF]  }
0x31: {  	[smem:$0x3FB8] =	sst s10  }
0x32: {  	s10 =	sld [smem:$0x3FB6];
	_ =	sdelay $0x3  }
0x33: {  	p0 =	seq.s32 s10, $0x1;
	s10 =	sld [smem:$0x3FB8];
	_ =	sdelay $0x3  }
0x34: {  	[smem:$0x3FB8] =	sst s10  }
0x35: {  	s10 =	sld [smem:$0x3FB7];
	_ =	sdelay $0x3  }
0x36: {  	p1 =	seq.s32 s10, $0x1;
	s10 =	sld [smem:$0x3FB8];
	_ =	sdelay $0x3  }
0x37: {  	[smem:$0x3FB8] =	sst s10  }
0x38: {  	s10 =	sld [smem:$0x3FB9]  }
0x39: {  	_ = 	snop;
	(pc) =	sbr.ind lr, $3  }
0x3a: {  	_ = 	snop  }
0x3b: {  	_ = 	snop  }
0x3c: {  	p2 =	seq.s32 s10, $0x1;
	s10 =	sld [smem:$0x3FB8]  }
0x3d: {  	_ =	shalt  }
0x3e: {  	_ =	shalt  }
0x3f: {  	_ =	shalt  }
0x40: {  	_ =	shalt  }
0x41: {  	_ =	shalt  }
0x42: {  	_ =	shalt  }
0x43: {  	_ =	shalt  }
0x44: {  	_ =	shalt  }
0x45: {  	_ =	shalt  }
0x46: {  	_ =	shalt  }
0x47: {  	_ =	shalt  }
0x48: {  	_ =	shalt  }
0x49: {  	_ =	shalt  }
0x4a: {  	_ =	shalt  }
0x4b: {  	_ =	shalt  }
0x4c: {  	_ =	shalt  }
0x4d: {  	_ =	shalt  }
0x4e: {  	_ =	shalt  }
0x4f: {  	_ =	shalt  }
0x50: {  	_ =	shalt  }
0x51: {  	_ =	shalt  }
0x52: {  	_ =	shalt  }
0x53: {  	_ =	shalt  }
0x54: {  	_ =	shalt  }
0x55: {  	_ =	shalt  }
0x56: {  	_ =	shalt  }
0x57: {  	_ =	shalt  }
0x58: {  	_ =	shalt  }
0x59: {  	_ =	shalt  }
0x5a: {  	_ =	shalt  }
0x5b: {  	_ =	shalt  }
0x5c: {  	_ =	shalt  }
0x5d: {  	_ =	shalt  }
0x5e: {  	_ =	shalt  }
0x5f: {  	_ =	shalt  }
0x60: {  	_ =	shalt  }
0x61: {  	_ =	shalt  }
0x62: {  	_ =	shalt  }
0x63: {  	_ =	shalt  }
0x64: {  	_ =	shalt  }
0x65: {  	_ =	shalt  }
0x66: {  	_ =	shalt  }
0x67: {  	_ =	shalt  }
0x68: {  	_ =	shalt  }
0x69: {  	_ =	shalt  }
0x6a: {  	_ =	shalt  }
0x6b: {  	_ =	shalt  }
0x6c: {  	_ =	shalt  }
0x6d: {  	_ =	shalt  }
0x6e: {  	_ =	shalt  }
0x6f: {  	_ =	shalt  }
0x70: {  	_ =	shalt  }
0x71: {  	_ =	shalt  }
0x72: {  	_ =	shalt  }
0x73: {  	_ =	shalt  }
0x74: {  	_ =	shalt  }
0x75: {  	_ =	shalt  }
0x76: {  	_ =	shalt  }
0x77: {  	_ =	shalt  }
0x78: {  	_ =	shalt  }
0x79: {  	_ =	shalt  }
0x7a: {  	_ =	shalt  }
0x7b: {  	_ =	shalt  }
0x7c: {  	_ =	shalt  }
0x7d: {  	_ =	shalt  }
0x7e: {  	_ =	shalt  }
0x7f: {  	_ =	shalt  }
0x80: {  	_ =	shalt  }
0x81: {  	_ =	shalt  }
0x82: {  	_ =	shalt  }
0x83: {  	_ =	shalt  }
0x84: {  	_ =	shalt  }
0x85: {  	_ =	shalt  }
0x86: {  	_ =	shalt  }
0x87: {  	_ =	shalt  }
.Lfunc_end0:
.L_simem_size_0:
called_computation_lowered:
.L_overlay_start_0:
0x88: {  	s2 =	sld [smem:$0x3FD9]  }
0x89: {  	s3 =	sld [smem:$0x3FFE];
	_ =	sdelay $0x1  }
0x8a: {  	s1 =	srdreg.scid  }
0x8b: {  	s0 =	sand.u32 $0x1, s1  }
0x8c: {  	s14 =	sshll.u32 s0, $0xA;
	s2 =	sadd.s32 s3, s2  }
0x8d: {  	s2 =	sadd.s32 s2, s14  }
0x8e: {  	[smem:$0x3FC4] =	sst s2  }
0x8f: {  	_ = 	snop  }
0x90: {  	s2 =	sld [smem:$0x3FD0];
	_ =	sdelay $0x2  }
0x91: {  	s15 =	simm.s32 $0xA;
	s4 =	simm.s32 $0x10  }
0x92: {  	[smem:s4], [sflag:s15] =	dma.local [hbm:s2], $0x1  }
0x93: {  	_ =	swait.eq [sflag:s15], $0x1  }
0x94: {  	[sflag:s15] =	ssyncset.done $0x0  }
0x95: {  	s16 =	sld [smem:$0x10];
	[sflag:s15] =	ssyncadd.s32 $0xFFFFFFFF  }
0x96: {  	s17 =	sld [smem:$0x12];
	(tm) =	ssettm $0x1  }
0x97: {  	s18 =	sld [smem:$0x3FFB];
	_ =	sdelay $0x3  }
0x98: {  	_ =	strace s18  }
0x99: {  	s4 =	sld [smem:$0x3FFC];
	_ =	sdelay $0x3  }
0x9a: {  	_ =	strace s4  }
0x9b: {  	s4 =	sld [smem:$0x3FFD];
	_ =	sdelay $0x3  }
0x9c: {  	_ =	strace s4  }
0x9d: {  	_ =	strace $0x8FFFFFFF  }
0x9e: {  	s19 =	sld [smem:$0x3FDB];
	_ =	sdelay $0x1  }
0x9f: {  	s5 =	simm.s32 $_scs_section_size  }
0xa0: {  	s6 =	simm.s32 $_size__tile_overlayer_lowered;
	s7 =	simm.s32 $_tile_overlayer_lowered  }
0xa1: {  	s22 =	simm.s32 $0x1BFF;
	s21 =	sshll.u32 s7, $0x1;
	s4 =	sadd.s32 s5, s19  }
0xa2: {  	s8 =	simm.s32 $0x0;
	s20 =	sshll.u32 s6, $0x1;
	s6 =	sadd.s32 s21, s4  }
0xa3: {  	[timem:s8], [sflag:s22] =	dma.local [hbm:s6], s20  }
0xa4: {  	_ =	swait.ge [sflag:s22], s20  }
0xa5: {  	s5 =	ssub.s32 $0x0, s20;
	[sflag:s22] =	ssyncset.done $0x0  }
0xa6: {  	[sflag:s22] =	ssyncadd.s32 s5;
	_ =	sdelay $0x1  }
0xa7: {  	s23 =	simm.s32 $0x1B8B  }
0xa8: {  	_ =	swait.ge [sflag:s23], $0x1  }
0xa9: {  	[sflag:s23] =	ssyncset.done $0x0  }
0xaa: {  	s25 =	simm.s32 $0x1B8E;
	s24 =	sld [smem:$0x3FFE];
	[sflag:s23] =	ssyncadd.s32 $0xFFFFFFFF  }
0xab: {  	s26 =	simm.s32 $execute0_lowered;
	[smem:$0x3FD2] =	sst s25  }
0xac: {  	s6 =	sshll.u32 s26, $0x1;
	_ =	strace $0x80000046;
	[dreg:$0x1] =	wrdreg $0xFFFFFFFF  }
0xad: {  	s28 =	simm.s32 $_size_execute0_lowered;
	s4 =	sadd.s32 s4, s6;
	[dreg:$0x0] =	wrdreg $0x0  }
0xae: {  	s6 =	sshll.u32 s28, $0x1;
	[dreg:$0x2] =	wrdreg s4  }
0xaf: {  	[dreg:$0x3] =	wrdreg s6  }
0xb0: {  	[dreg:$0x4] =	wrdreg $0xC0  }
0xb1: {  	_ =	task [dreg:s8], $0x5FFFF  }
0xb2: {  	[dreg:$0x1] =	wrdreg $0xFFFFFFFF  }
0xb3: {  	[dreg:$0x0] =	wrdreg $0x60  }
0xb4: {  	[dreg:$0x2] =	wrdreg s24  }
0xb5: {  	[dreg:$0x3] =	wrdreg s17  }
0xb6: {  	[dreg:$0x4] =	wrdreg s16  }
0xb7: {  	[dreg:$0x5] =	wrdreg $0x9  }
0xb8: {  	_ =	task.clear_ibuf [dreg:s8], $0x6FFFF;
	_ =	strace $0x90000046  }
0xb9: {  	s29 =	simm.s32 $0x9;
	_ =	strace $0x80000048  }
0xba: {  	_ =	swait.ge [sflag:s29], $0x1  }
0xbb: {  	[sflag:s29] =	ssyncadd.s32 $0xFFFFFFFF  }
0xbc: {  	_ =	strace $0x90000048  }
0xbd: {  	_ =	sfence  }
0xbe: {  	s30 =	sld [smem:$0x0];
	_ =	sdelay $0x2  }
0xbf: {  	s31 =	sshll.u32 s1, $0xD;
	s1 =	sshrl.u32 s1, $0x2  }
0xc0: {  	s3 =	sand.u32 $0x4000, s31;
	s1 =	sadd.s32 s1, s30  }
0xc1: {  	s0 =	sor.u32 s3, s0;
	s1 =	sshll.u32 s1, $0x11  }
0xc2: {  	s0 =	sor.u32 s1, s0  }
0xc3: {  	s0 =	sadd.s32 $0x8F2B, s0  }
0xc4: {  	[sflag:s0] =	ssyncadd.remote.s32 $0x1  }
0xc5: {  	_ =	sfence.sel $0xFFFF  }
0xc6: {  	[dreg:$0x0] =	wrdreg $0xFFFFFFFF;
	(pc) =	sbr.abs _section_cstart, $3  }
0xc7: {  	[dreg:$0x1] =	wrdreg $0xFFFFFFFF  }
0xc8: {  	_ =	task.clear_ibuf [dreg:s8], $0x2FFFF;
	_ =	strace $0x9FFFFFFF  }
0xc9: {  	(tm) =	ssettm $0x7FFFFFFF  }
tec
execute0_lowered:
.L_overlay_start_1:
0x0: {  	(tag) =	ssettag $0x1  }
0x1: {  	s5 =	rddreg [dreg:$0x0];
	s1 =	srdreg.scid  }
0x2: {  	s3 =	rddreg [dreg:$0x1];
	s0 =	stileid.u32;
	s12 =	sand.u32 $0x1, s1  }
0x3: {  	s14 =	rddreg [dreg:$0x2];
	s4 =	sshll.u32 s0, $0xA;
	s6 =	sshll.u32 s12, $0x9  }
0x4: {  	s2 =	simm.s32 $0x0;
	s1 =	rddreg [dreg:$0x3];
	s15 =	sor.u32 s6, s4  }
0x5: {  	[smem:$0x7FF] =	sst s2;
	s4 =	sshrl.u32 s15, $0x3  }
0x6: {  	_ =	strace $0x80000047;
	s4 =	sadd.s32 s3, s4;
	s3 =	simm.s32 $0x2  }
0x7: {  	[tilespmem:s2], [sflag:$0x2] =	stream.linear.gather [hbm4b:s4+s2], $0x200, $0x38;
	[tilespmem:$0x4200] =	vst v63  }
0x8: {  	_ =	swait.ge [sflag:s3], $0x200  }
0x9: {  	s7 =	simm.s32 $0x200;
	s8 =	simm.s32 $0x1;
	[sflag:s3] =	ssyncset.done $0x0  }
0xa: {  	s5 =	sadd.s32 $0x600, s5;
	s6 =	simm.s32 $0x80;
	[sflag:s3] =	ssyncadd.s32 $0xFFFFFE00  }
0xb: {  	[tilespmem:s7], [sflag:$0x1] =	stream.indirect.gather [hbm4b:s5+s6], $0x20, s2, s6, $0xb8;
	[tilespmem:$0x4200] =	vst v63  }
0xc: {  	_ =	swait.ge [sflag:s8], $0x1000  }
0xd: {  	[sflag:s8] =	ssyncset.done $0x0  }
0xe: {  	s9 =	simm.s32 $0x1200;
	[sflag:s8] =	ssyncadd.s32 $0xFFFFF000  }
0xf: {  	[tilespmem:s9], [sflag:$0x1] =	stream.indirect.gather [hbm4b:s5+s6], $0x20, s6, s6, $0xb8;
	[tilespmem:$0x4200] =	vst v63  }
0x10: {  	_ =	swait.ge [sflag:s8], $0x1000  }
0x11: {  	s10 =	simm.s32 $0x100;
	[sflag:s8] =	ssyncset.done $0x0  }
0x12: {  	s11 =	simm.s32 $0x2200;
	s16 =	ssub.s32 $0x2, s12;
	[sflag:s8] =	ssyncadd.s32 $0xFFFFF000  }
0x13: {  	[tilespmem:s11], [sflag:$0x1] =	stream.indirect.gather [hbm4b:s5+s6], $0x20, s10, s6, $0xb8;
	[tilespmem:$0x4200] =	vst v63  }
0x14: {  	s17 =	sshrl.u32 s16, $0x1;
	_ =	swait.ge [sflag:s8], $0x1000  }
0x15: {  	s13 =	simm.s32 $0x3200;
	s16 =	ssub.s32 s16, s17;
	[sflag:s8] =	ssyncset.done $0x0  }
0x16: {  	s12 =	simm.s32 $0x180;
	s31 =	smax.u32 s16, $0x1;
	[sflag:s8] =	ssyncadd.s32 $0xFFFFF000  }
0x17: {  	[tilespmem:s13], [sflag:$0x1] =	stream.indirect.gather [hbm4b:s5+s6], $0x20, s12, s6, $0xb8;
	[tilespmem:$0x4200] =	vst v63  }
0x18: {  	p0 =	sne.s32 s31, $0x1;
	_ =	swait.ge [sflag:s8], $0x1000  }
.Ltmp0:
0x19: {  	s15 =	sshll.u32 s15, $0x2;
	[sflag:s8] =	ssyncset.done $0x0;
	(pc) =	sbr.rel @!p0 .LBB2_2-.Ltmp0, $4  }
0x1a: {  	s14 =	sadd.s32 s14, s15;
	[sflag:s8] =	ssyncadd.s32 $0xFFFFF000  }
0x1b: {  	[hbm4b:s14+s2] =	stream.linear.scatter [tilespmem:s7], [sflag:$0x2], $0x4000, $0x38;
	[tilespmem:$0x4200] =	vst v63  }
0x1c: {  	_ =	swait.ge [sflag:s3], $0x4000  }
0x1d: {  	s15 =	sadd.s32 $0xFFFFFFFF, s31;
	[sflag:s3] =	ssyncset.done $0x0  }
.LBB2_1:
0x1e: {  	p0 =	sne.s32 s15, $0x1;
	s15 =	sadd.s32 $0xFFFFFFFF, s15;
	[sflag:s3] =	ssyncadd.s32 $0xFFFFC000  }
0x1f: {  	[tilespmem:s2], [sflag:$0x2] =	stream.linear.gather [hbm4b:s4+s2], $0x200, $0x38;
	[tilespmem:$0x4200] =	vst v63  }
0x20: {  	_ =	swait.ge [sflag:s3], $0x200  }
0x21: {  	[sflag:s3] =	ssyncset.done $0x0  }
0x22: {  	[sflag:s3] =	ssyncadd.s32 $0xFFFFFE00  }
0x23: {  	[tilespmem:s7], [sflag:$0x1] =	stream.indirect.gather [hbm4b:s5+s6], $0x20, s2, s6, $0xb8;
	[tilespmem:$0x4200] =	vst v63  }
0x24: {  	_ =	swait.ge [sflag:s8], $0x1000  }
0x25: {  	[sflag:s8] =	ssyncset.done $0x0  }
0x26: {  	[sflag:s8] =	ssyncadd.s32 $0xFFFFF000  }
0x27: {  	[tilespmem:s9], [sflag:$0x1] =	stream.indirect.gather [hbm4b:s5+s6], $0x20, s6, s6, $0xb8;
	[tilespmem:$0x4200] =	vst v63  }
0x28: {  	_ =	swait.ge [sflag:s8], $0x1000  }
0x29: {  	[sflag:s8] =	ssyncset.done $0x0  }
0x2a: {  	[sflag:s8] =	ssyncadd.s32 $0xFFFFF000  }
0x2b: {  	[tilespmem:s11], [sflag:$0x1] =	stream.indirect.gather [hbm4b:s5+s6], $0x20, s10, s6, $0xb8;
	[tilespmem:$0x4200] =	vst v63  }
0x2c: {  	_ =	swait.ge [sflag:s8], $0x1000  }
0x2d: {  	[sflag:s8] =	ssyncset.done $0x0  }
0x2e: {  	[sflag:s8] =	ssyncadd.s32 $0xFFFFF000  }
0x2f: {  	[tilespmem:s13], [sflag:$0x1] =	stream.indirect.gather [hbm4b:s5+s6], $0x20, s12, s6, $0xb8;
	[tilespmem:$0x4200] =	vst v63  }
0x30: {  	_ =	swait.ge [sflag:s8], $0x1000  }
.Ltmp1:
0x31: {  	[sflag:s8] =	ssyncset.done $0x0;
	(pc) =	sbr.rel @p0 .LBB2_1-.Ltmp1, $4  }
0x32: {  	[sflag:s8] =	ssyncadd.s32 $0xFFFFF000  }
0x33: {  	[hbm4b:s14+s2] =	stream.linear.scatter [tilespmem:s7], [sflag:$0x2], $0x4000, $0x38;
	[tilespmem:$0x4200] =	vst v63  }
0x34: {  	_ =	swait.ge [sflag:s3], $0x4000  }
0x35: {  	[sflag:s3] =	ssyncset.done $0x0  }
.LBB2_2:
0x36: {  	[sflag:s3] =	ssyncadd.s32 $0xFFFFC000  }
0x37: {  	_ =	sfence.sel $0x180000  }
0x38: {  	[bflag:$0x0] =	sbarrier.arrive $0xFFFF  }
0x39: {  	p0 =	sne.s32 s0, $0x0;
	_ =	strace $0x90000047  }
0x3a: {  	s0 =	sadd.s32 @!p0 $0x100000, s1;
	[bflag:$0x2] =	sbarrier.arrive $0xFFFF  }
0x3b: {  	[sflag:s0] =	ssyncadd.tile.s32 @!p0 $0x1;
	_ =	shalt  }
.Lfunc_end2:
_tile_overlayer_lowered:
.L_overlay_start_2:
0x3c: {  	(tag) =	ssettag $0x2  }
0x3d: {  	s0 =	rddreg [dreg:$0x0];
	s2 =	stileid.u32  }
0x3e: {  	s1 =	rddreg [dreg:$0x1];
	p0 =	sne.s32 s2, $0x0  }
0x3f: {  	s3 =	rddreg [dreg:$0x2];
	[bflag:$0x3] =	sbarrier.arrive $0xFFFF;
	s2 =	simm.s32 @!p0 $0x1C02  }
0x40: {  	[timem:s3], [sflag:s2] =	dma.local @!p0 [hbm:s0], s1  }
0x41: {  	s0 =	simm.s32 @!p0 $0x2  }
0x42: {  	_ =	swait.ge @!p0 [sflag:s0], s1  }
0x43: {  	s1 =	ssub.s32 @!p0 $0x0, s1;
	[sflag:s0] =	ssyncset.done @!p0 $0x0  }
0x44: {  	[sflag:s0] =	ssyncadd.s32 @!p0 s1  }
0x45: {  	[bflag:$0x3] =	sbarrier.arrive $0xFFFF  }
0x46: {  	_ =	shalt  }

</sc_bundles>
